<compile_context>
chip_gen: v7x
topology: tpu7x:2x2x1
jax: 0.10.2.dev20260603
libtpu: 0.0.44.dev20260713+nightly
codegen_flags: <defaults>
</compile_context>

<pallas_src>
import functools

import jax
import jax.numpy as jnp
from jax import lax
from jax.experimental import pallas as pl
from jax.experimental.pallas import tpu as pltpu
from jax.experimental.pallas import tpu_sc as plsc

VOCAB = 1000000
D = 64
B = 16384
NC = 2
NS = 16
L = 16
NW = NC * NS
BPW = B // NW
NG = BPW // 128
NCHK = BPW // L

_mesh = plsc.VectorSubcoreMesh(core_axis_name="c", subcore_axis_name="s")


@functools.partial(
    pl.kernel,
    mesh=_mesh,
    compiler_params=pltpu.CompilerParams(
        needs_layout_passes=False, use_tc_tiling_on_sc=False),
    out_type=jax.ShapeDtypeStruct((B,), jnp.float32),
    scratch_types=[
        pltpu.VMEM((BPW,), jnp.int32),
        pltpu.VMEM((BPW,), jnp.int32),
        pltpu.VMEM((D, BPW), jnp.float32),
        pltpu.VMEM((D, BPW), jnp.float32),
        pltpu.VMEM((BPW,), jnp.float32),
        pltpu.SemaphoreType.DMA,
        pltpu.SemaphoreType.DMA,
    ],
)
def _sg_hs_kernel(embT, cs, nodes, out, cs_i, nd_i, va, vb, o_v, sa, sb):
    wid = lax.axis_index("s") * NC + lax.axis_index("c")
    base = wid * BPW
    pltpu.sync_copy(cs.at[pl.ds(base, BPW)], cs_i)
    pltpu.sync_copy(nodes.at[pl.ds(base, BPW)], nd_i)

    def fire(f, carry):
        for g in range(NG):
            pltpu.async_copy(embT.at[f].at[cs_i.at[pl.ds(g * 128, 128)]],
                             va.at[f, pl.ds(g * 128, 128)], sa)
            pltpu.async_copy(embT.at[f].at[nd_i.at[pl.ds(g * 128, 128)]],
                             vb.at[f, pl.ds(g * 128, 128)], sb)
        return carry

    lax.fori_loop(0, D, fire, 0)
    pltpu.make_async_copy(embT.at[pl.ds(0, D), pl.ds(0, BPW)], va, sa).wait()
    pltpu.make_async_copy(embT.at[pl.ds(0, D), pl.ds(0, BPW)], vb, sb).wait()

    def compute(c, carry):
        def step(f, acc):
            av = va[f, pl.ds(c * L, L)]
            bv = vb[f, pl.ds(c * L, L)]
            return acc + av * bv

        acc = lax.fori_loop(0, D, step, jnp.zeros((L,), jnp.float32),
                            unroll=8)
        o_v[pl.ds(c * L, L)] = 1.0 / (1.0 + jnp.exp(-acc))
        return carry

    lax.fori_loop(0, NCHK, compute, 0)

    pltpu.sync_copy(o_v, out.at[pl.ds(base, BPW)])


def kernel(emb, cs, nodes):
    return _sg_hs_kernel(emb.T, cs, nodes)

# --- scband reference (transcript-rebuilt; emitter-appended) ---
"""Pipeline reference for scband-skip-gram-with-hierarchical-softmax-4389456577352 (READ-ONLY COPY).

The authoritative reference and input builder live on the scoring server;
editing this copy changes nothing except your own understanding.
"""

import jax, jax.numpy as jnp
import numpy as np

NODE_NUMBER = 1000000
VECTOR_SIZE = 64
BATCH = 16384

def setup_inputs(seed: int = 0) -> dict:
    key = jax.random.key(seed)
    k1, k2, k3 = jax.random.split(key, 3)
    emb = jax.random.normal(k1, (NODE_NUMBER, VECTOR_SIZE), dtype=jnp.float32)
    cs = jax.random.randint(k2, (BATCH,), 0, NODE_NUMBER, dtype=jnp.int32)
    nodes = jax.random.randint(k3, (BATCH,), 0, NODE_NUMBER, dtype=jnp.int32)
    return {"emb": emb, "cs": cs, "nodes": nodes}

def reference(emb, cs, nodes):
    cs_e = jnp.take(emb, cs, axis=0)
    nodes_e = jnp.take(emb, nodes, axis=0)
    y = jnp.sum(cs_e * nodes_e, axis=1)
    y = jax.nn.sigmoid(y)
    return y

if __name__ == "__main__":
    import jax
    _d = setup_inputs()
    print(jax.jit(kernel)(*tuple(_d.values())))

</pallas_src>

<mosaic_0001>
#map = affine_map<(d0, d1) -> (0, 0)>
#map1 = affine_map<(d0, d1) -> (0)>
module attributes {stable_mosaic.version = 14 : i64} {
  func.func @_sg_hs_kernel(%arg0: i32, %arg1: i32, %arg2: memref<64x1000000xf32, #tpu.memory_space<hbm>>, %arg3: memref<16384xi32, #tpu.memory_space<hbm>>, %arg4: memref<16384xi32, #tpu.memory_space<hbm>>, %arg5: memref<16384xf32, #tpu.memory_space<hbm>>, %arg6: memref<512xi32, #tpu.memory_space<vmem>>, %arg7: memref<512xi32, #tpu.memory_space<vmem>>, %arg8: memref<64x512xf32, #tpu.memory_space<vmem>>, %arg9: memref<64x512xf32, #tpu.memory_space<vmem>>, %arg10: memref<512xf32, #tpu.memory_space<vmem>>, %arg11: memref<!tpu.dma_semaphore, #tpu.memory_space<semaphore_mem>>, %arg12: memref<!tpu.dma_semaphore, #tpu.memory_space<semaphore_mem>>) attributes {dimension_semantics = [#tpu.dimension_semantics<core_parallel>, #tpu.dimension_semantics<subcore_parallel>], iteration_bounds = array<i64: 2, 16>, scalar_prefetch = 0 : i64, scratch_operands = 7 : i64, tpu.core_type = #tpu.core_type<sc_vector_subcore>, window_params = [{transform_indices = #map}, {transform_indices = #map1}, {transform_indices = #map1}, {transform_indices = #map1}]} {
    %mul3A = arith.constant 2 : i32
    %mul3A_0 = arith.muli %arg1, %mul3A : i32
    %add3A = arith.addi %mul3A_0, %arg0 : i32
    %mul3A_1 = arith.constant 512 : i32
    %mul3A_2 = arith.muli %add3A, %mul3A_1 : i32
    "tpu.region"() ({
      %run_scoped3A = tpu.sem_alloc : memref<!tpu.dma_semaphore, #tpu.memory_space<semaphore_mem>>
      %dma_start3A = tpu.memref_slice %arg3[%mul3A_2] : memref<16384xi32, #tpu.memory_space<hbm>> -> memref<512xi32, #tpu.memory_space<hbm>>
      %dma_start3A_25 = tpu.memref_slice %arg3[%mul3A_2] : memref<16384xi32, #tpu.memory_space<hbm>> -> memref<512xi32, #tpu.memory_space<hbm>>
      tpu.enqueue_dma source(%dma_start3A_25 : memref<512xi32, #tpu.memory_space<hbm>>) target(%arg6 : memref<512xi32, #tpu.memory_space<vmem>>) target_semaphore(%run_scoped3A : memref<!tpu.dma_semaphore, #tpu.memory_space<semaphore_mem>>)
      %dma_wait3A_26 = tpu.memref_slice %arg3[%mul3A_2] : memref<16384xi32, #tpu.memory_space<hbm>> -> memref<512xi32, #tpu.memory_space<hbm>>
      %dma_wait3A_27 = tpu.memref_slice %arg3[%mul3A_2] : memref<16384xi32, #tpu.memory_space<hbm>> -> memref<512xi32, #tpu.memory_space<hbm>>
      tpu.wait_dma2 semaphore(%run_scoped3A : memref<!tpu.dma_semaphore, #tpu.memory_space<semaphore_mem>>) src(%dma_wait3A_27 : memref<512xi32, #tpu.memory_space<hbm>>) dst(%arg6 : memref<512xi32, #tpu.memory_space<vmem>>)
      tpu.yield
    }) : () -> ()
    "tpu.region"() ({
      %run_scoped3A = tpu.sem_alloc : memref<!tpu.dma_semaphore, #tpu.memory_space<semaphore_mem>>
      %dma_start3A = tpu.memref_slice %arg4[%mul3A_2] : memref<16384xi32, #tpu.memory_space<hbm>> -> memref<512xi32, #tpu.memory_space<hbm>>
      %dma_start3A_25 = tpu.memref_slice %arg4[%mul3A_2] : memref<16384xi32, #tpu.memory_space<hbm>> -> memref<512xi32, #tpu.memory_space<hbm>>
      tpu.enqueue_dma source(%dma_start3A_25 : memref<512xi32, #tpu.memory_space<hbm>>) target(%arg7 : memref<512xi32, #tpu.memory_space<vmem>>) target_semaphore(%run_scoped3A : memref<!tpu.dma_semaphore, #tpu.memory_space<semaphore_mem>>)
      %dma_wait3A_26 = tpu.memref_slice %arg4[%mul3A_2] : memref<16384xi32, #tpu.memory_space<hbm>> -> memref<512xi32, #tpu.memory_space<hbm>>
      %dma_wait3A_27 = tpu.memref_slice %arg4[%mul3A_2] : memref<16384xi32, #tpu.memory_space<hbm>> -> memref<512xi32, #tpu.memory_space<hbm>>
      tpu.wait_dma2 semaphore(%run_scoped3A : memref<!tpu.dma_semaphore, #tpu.memory_space<semaphore_mem>>) src(%dma_wait3A_27 : memref<512xi32, #tpu.memory_space<hbm>>) dst(%arg7 : memref<512xi32, #tpu.memory_space<vmem>>)
      tpu.yield
    }) : () -> ()
    %scan3A = arith.constant 0 : i32
    %scan3A_3 = arith.constant 0 : i32
    %scan3A_4 = arith.constant 64 : i32
    %scan3A_5 = arith.addi %scan3A_3, %scan3A_4 : i32
    %scan3A_6 = arith.constant 1 : i32
    scf.for %scan3A_25 = %scan3A_3 to %scan3A_5 step %scan3A_6  : i32 {
      %dma_start3A = arith.constant 0 : i32
      %dma_start3A_26 = tpu.memref_slice %arg8[%scan3A_25, %dma_start3A] : memref<64x512xf32, #tpu.memory_space<vmem>> -> memref<1x128xf32, #tpu.memory_space<vmem>>
      %dma_start3A_27 = tpu.memref_squeeze %dma_start3A_26 : memref<1x128xf32, #tpu.memory_space<vmem>> -> memref<128xf32, #tpu.memory_space<vmem>>
      %dma_start3A_28 = arith.constant 0 : i32
      %dma_start3A_29 = tpu.memref_slice %arg6[%dma_start3A_28] : memref<512xi32, #tpu.memory_space<vmem>> -> memref<128xi32, #tpu.memory_space<vmem>>
      %dma_start3A_30 = arith.constant 0 : i32
      %dma_start3A_31 = tpu.memref_slice %arg2[%scan3A_25, %dma_start3A_30] : memref<64x1000000xf32, #tpu.memory_space<hbm>> -> memref<1x1000000xf32, #tpu.memory_space<hbm>>
      %dma_start3A_32 = tpu.memref_squeeze %dma_start3A_31 : memref<1x1000000xf32, #tpu.memory_space<hbm>> -> memref<1000000xf32, #tpu.memory_space<hbm>>
      %dma_start3A_33 = arith.constant 0 : i32
      %dma_start3A_34 = tpu.memref_slice %dma_start3A_32[%dma_start3A_33] : memref<1000000xf32, #tpu.memory_space<hbm>> -> memref<1000000xf32, #tpu.memory_space<hbm>>
      tpu.enqueue_indirect_dma source(%dma_start3A_34 : memref<1000000xf32, #tpu.memory_space<hbm>>) target(%dma_start3A_27 : memref<128xf32, #tpu.memory_space<vmem>>) offsets(%dma_start3A_29 : memref<128xi32, #tpu.memory_space<vmem>>) semaphore(%arg11 : memref<!tpu.dma_semaphore, #tpu.memory_space<semaphore_mem>>)
      %dma_start3A_35 = arith.constant 0 : i32
      %dma_start3A_36 = tpu.memref_slice %arg9[%scan3A_25, %dma_start3A_35] : memref<64x512xf32, #tpu.memory_space<vmem>> -> memref<1x128xf32, #tpu.memory_space<vmem>>
      %dma_start3A_37 = tpu.memref_squeeze %dma_start3A_36 : memref<1x128xf32, #tpu.memory_space<vmem>> -> memref<128xf32, #tpu.memory_space<vmem>>
      %dma_start3A_38 = arith.constant 0 : i32
      %dma_start3A_39 = tpu.memref_slice %arg7[%dma_start3A_38] : memref<512xi32, #tpu.memory_space<vmem>> -> memref<128xi32, #tpu.memory_space<vmem>>
      %dma_start3A_40 = arith.constant 0 : i32
      %dma_start3A_41 = tpu.memref_slice %arg2[%scan3A_25, %dma_start3A_40] : memref<64x1000000xf32, #tpu.memory_space<hbm>> -> memref<1x1000000xf32, #tpu.memory_space<hbm>>
      %dma_start3A_42 = tpu.memref_squeeze %dma_start3A_41 : memref<1x1000000xf32, #tpu.memory_space<hbm>> -> memref<1000000xf32, #tpu.memory_space<hbm>>
      %dma_start3A_43 = arith.constant 0 : i32
      %dma_start3A_44 = tpu.memref_slice %dma_start3A_42[%dma_start3A_43] : memref<1000000xf32, #tpu.memory_space<hbm>> -> memref<1000000xf32, #tpu.memory_space<hbm>>
      tpu.enqueue_indirect_dma source(%dma_start3A_44 : memref<1000000xf32, #tpu.memory_space<hbm>>) target(%dma_start3A_37 : memref<128xf32, #tpu.memory_space<vmem>>) offsets(%dma_start3A_39 : memref<128xi32, #tpu.memory_space<vmem>>) semaphore(%arg12 : memref<!tpu.dma_semaphore, #tpu.memory_space<semaphore_mem>>)
      %dma_start3A_45 = arith.constant 128 : i32
      %dma_start3A_46 = tpu.memref_slice %arg8[%scan3A_25, %dma_start3A_45] : memref<64x512xf32, #tpu.memory_space<vmem>> -> memref<1x128xf32, #tpu.memory_space<vmem>>
      %dma_start3A_47 = tpu.memref_squeeze %dma_start3A_46 : memref<1x128xf32, #tpu.memory_space<vmem>> -> memref<128xf32, #tpu.memory_space<vmem>>
      %dma_start3A_48 = arith.constant 128 : i32
      %dma_start3A_49 = tpu.memref_slice %arg6[%dma_start3A_48] : memref<512xi32, #tpu.memory_space<vmem>> -> memref<128xi32, #tpu.memory_space<vmem>>
      %dma_start3A_50 = arith.constant 0 : i32
      %dma_start3A_51 = tpu.memref_slice %arg2[%scan3A_25, %dma_start3A_50] : memref<64x1000000xf32, #tpu.memory_space<hbm>> -> memref<1x1000000xf32, #tpu.memory_space<hbm>>
      %dma_start3A_52 = tpu.memref_squeeze %dma_start3A_51 : memref<1x1000000xf32, #tpu.memory_space<hbm>> -> memref<1000000xf32, #tpu.memory_space<hbm>>
      %dma_start3A_53 = arith.constant 0 : i32
      %dma_start3A_54 = tpu.memref_slice %dma_start3A_52[%dma_start3A_53] : memref<1000000xf32, #tpu.memory_space<hbm>> -> memref<1000000xf32, #tpu.memory_space<hbm>>
      tpu.enqueue_indirect_dma source(%dma_start3A_54 : memref<1000000xf32, #tpu.memory_space<hbm>>) target(%dma_start3A_47 : memref<128xf32, #tpu.memory_space<vmem>>) offsets(%dma_start3A_49 : memref<128xi32, #tpu.memory_space<vmem>>) semaphore(%arg11 : memref<!tpu.dma_semaphore, #tpu.memory_space<semaphore_mem>>)
      %dma_start3A_55 = arith.constant 128 : i32
      %dma_start3A_56 = tpu.memref_slice %arg9[%scan3A_25, %dma_start3A_55] : memref<64x512xf32, #tpu.memory_space<vmem>> -> memref<1x128xf32, #tpu.memory_space<vmem>>
      %dma_start3A_57 = tpu.memref_squeeze %dma_start3A_56 : memref<1x128xf32, #tpu.memory_space<vmem>> -> memref<128xf32, #tpu.memory_space<vmem>>
      %dma_start3A_58 = arith.constant 128 : i32
      %dma_start3A_59 = tpu.memref_slice %arg7[%dma_start3A_58] : memref<512xi32, #tpu.memory_space<vmem>> -> memref<128xi32, #tpu.memory_space<vmem>>
      %dma_start3A_60 = arith.constant 0 : i32
      %dma_start3A_61 = tpu.memref_slice %arg2[%scan3A_25, %dma_start3A_60] : memref<64x1000000xf32, #tpu.memory_space<hbm>> -> memref<1x1000000xf32, #tpu.memory_space<hbm>>
      %dma_start3A_62 = tpu.memref_squeeze %dma_start3A_61 : memref<1x1000000xf32, #tpu.memory_space<hbm>> -> memref<1000000xf32, #tpu.memory_space<hbm>>
      %dma_start3A_63 = arith.constant 0 : i32
      %dma_start3A_64 = tpu.memref_slice %dma_start3A_62[%dma_start3A_63] : memref<1000000xf32, #tpu.memory_space<hbm>> -> memref<1000000xf32, #tpu.memory_space<hbm>>
      tpu.enqueue_indirect_dma source(%dma_start3A_64 : memref<1000000xf32, #tpu.memory_space<hbm>>) target(%dma_start3A_57 : memref<128xf32, #tpu.memory_space<vmem>>) offsets(%dma_start3A_59 : memref<128xi32, #tpu.memory_space<vmem>>) semaphore(%arg12 : memref<!tpu.dma_semaphore, #tpu.memory_space<semaphore_mem>>)
      %dma_start3A_65 = arith.constant 256 : i32
      %dma_start3A_66 = tpu.memref_slice %arg8[%scan3A_25, %dma_start3A_65] : memref<64x512xf32, #tpu.memory_space<vmem>> -> memref<1x128xf32, #tpu.memory_space<vmem>>
      %dma_start3A_67 = tpu.memref_squeeze %dma_start3A_66 : memref<1x128xf32, #tpu.memory_space<vmem>> -> memref<128xf32, #tpu.memory_space<vmem>>
      %dma_start3A_68 = arith.constant 256 : i32
      %dma_start3A_69 = tpu.memref_slice %arg6[%dma_start3A_68] : memref<512xi32, #tpu.memory_space<vmem>> -> memref<128xi32, #tpu.memory_space<vmem>>
      %dma_start3A_70 = arith.constant 0 : i32
      %dma_start3A_71 = tpu.memref_slice %arg2[%scan3A_25, %dma_start3A_70] : memref<64x1000000xf32, #tpu.memory_space<hbm>> -> memref<1x1000000xf32, #tpu.memory_space<hbm>>
      %dma_start3A_72 = tpu.memref_squeeze %dma_start3A_71 : memref<1x1000000xf32, #tpu.memory_space<hbm>> -> memref<1000000xf32, #tpu.memory_space<hbm>>
      %dma_start3A_73 = arith.constant 0 : i32
      %dma_start3A_74 = tpu.memref_slice %dma_start3A_72[%dma_start3A_73] : memref<1000000xf32, #tpu.memory_space<hbm>> -> memref<1000000xf32, #tpu.memory_space<hbm>>
      tpu.enqueue_indirect_dma source(%dma_start3A_74 : memref<1000000xf32, #tpu.memory_space<hbm>>) target(%dma_start3A_67 : memref<128xf32, #tpu.memory_space<vmem>>) offsets(%dma_start3A_69 : memref<128xi32, #tpu.memory_space<vmem>>) semaphore(%arg11 : memref<!tpu.dma_semaphore, #tpu.memory_space<semaphore_mem>>)
      %dma_start3A_75 = arith.constant 256 : i32
      %dma_start3A_76 = tpu.memref_slice %arg9[%scan3A_25, %dma_start3A_75] : memref<64x512xf32, #tpu.memory_space<vmem>> -> memref<1x128xf32, #tpu.memory_space<vmem>>
      %dma_start3A_77 = tpu.memref_squeeze %dma_start3A_76 : memref<1x128xf32, #tpu.memory_space<vmem>> -> memref<128xf32, #tpu.memory_space<vmem>>
      %dma_start3A_78 = arith.constant 256 : i32
      %dma_start3A_79 = tpu.memref_slice %arg7[%dma_start3A_78] : memref<512xi32, #tpu.memory_space<vmem>> -> memref<128xi32, #tpu.memory_space<vmem>>
      %dma_start3A_80 = arith.constant 0 : i32
      %dma_start3A_81 = tpu.memref_slice %arg2[%scan3A_25, %dma_start3A_80] : memref<64x1000000xf32, #tpu.memory_space<hbm>> -> memref<1x1000000xf32, #tpu.memory_space<hbm>>
      %dma_start3A_82 = tpu.memref_squeeze %dma_start3A_81 : memref<1x1000000xf32, #tpu.memory_space<hbm>> -> memref<1000000xf32, #tpu.memory_space<hbm>>
      %dma_start3A_83 = arith.constant 0 : i32
      %dma_start3A_84 = tpu.memref_slice %dma_start3A_82[%dma_start3A_83] : memref<1000000xf32, #tpu.memory_space<hbm>> -> memref<1000000xf32, #tpu.memory_space<hbm>>
      tpu.enqueue_indirect_dma source(%dma_start3A_84 : memref<1000000xf32, #tpu.memory_space<hbm>>) target(%dma_start3A_77 : memref<128xf32, #tpu.memory_space<vmem>>) offsets(%dma_start3A_79 : memref<128xi32, #tpu.memory_space<vmem>>) semaphore(%arg12 : memref<!tpu.dma_semaphore, #tpu.memory_space<semaphore_mem>>)
      %dma_start3A_85 = arith.constant 384 : i32
      %dma_start3A_86 = tpu.memref_slice %arg8[%scan3A_25, %dma_start3A_85] : memref<64x512xf32, #tpu.memory_space<vmem>> -> memref<1x128xf32, #tpu.memory_space<vmem>>
      %dma_start3A_87 = tpu.memref_squeeze %dma_start3A_86 : memref<1x128xf32, #tpu.memory_space<vmem>> -> memref<128xf32, #tpu.memory_space<vmem>>
      %dma_start3A_88 = arith.constant 384 : i32
      %dma_start3A_89 = tpu.memref_slice %arg6[%dma_start3A_88] : memref<512xi32, #tpu.memory_space<vmem>> -> memref<128xi32, #tpu.memory_space<vmem>>
      %dma_start3A_90 = arith.constant 0 : i32
      %dma_start3A_91 = tpu.memref_slice %arg2[%scan3A_25, %dma_start3A_90] : memref<64x1000000xf32, #tpu.memory_space<hbm>> -> memref<1x1000000xf32, #tpu.memory_space<hbm>>
      %dma_start3A_92 = tpu.memref_squeeze %dma_start3A_91 : memref<1x1000000xf32, #tpu.memory_space<hbm>> -> memref<1000000xf32, #tpu.memory_space<hbm>>
      %dma_start3A_93 = arith.constant 0 : i32
      %dma_start3A_94 = tpu.memref_slice %dma_start3A_92[%dma_start3A_93] : memref<1000000xf32, #tpu.memory_space<hbm>> -> memref<1000000xf32, #tpu.memory_space<hbm>>
      tpu.enqueue_indirect_dma source(%dma_start3A_94 : memref<1000000xf32, #tpu.memory_space<hbm>>) target(%dma_start3A_87 : memref<128xf32, #tpu.memory_space<vmem>>) offsets(%dma_start3A_89 : memref<128xi32, #tpu.memory_space<vmem>>) semaphore(%arg11 : memref<!tpu.dma_semaphore, #tpu.memory_space<semaphore_mem>>)
      %dma_start3A_95 = arith.constant 384 : i32
      %dma_start3A_96 = tpu.memref_slice %arg9[%scan3A_25, %dma_start3A_95] : memref<64x512xf32, #tpu.memory_space<vmem>> -> memref<1x128xf32, #tpu.memory_space<vmem>>
      %dma_start3A_97 = tpu.memref_squeeze %dma_start3A_96 : memref<1x128xf32, #tpu.memory_space<vmem>> -> memref<128xf32, #tpu.memory_space<vmem>>
      %dma_start3A_98 = arith.constant 384 : i32
      %dma_start3A_99 = tpu.memref_slice %arg7[%dma_start3A_98] : memref<512xi32, #tpu.memory_space<vmem>> -> memref<128xi32, #tpu.memory_space<vmem>>
      %dma_start3A_100 = arith.constant 0 : i32
      %dma_start3A_101 = tpu.memref_slice %arg2[%scan3A_25, %dma_start3A_100] : memref<64x1000000xf32, #tpu.memory_space<hbm>> -> memref<1x1000000xf32, #tpu.memory_space<hbm>>
      %dma_start3A_102 = tpu.memref_squeeze %dma_start3A_101 : memref<1x1000000xf32, #tpu.memory_space<hbm>> -> memref<1000000xf32, #tpu.memory_space<hbm>>
      %dma_start3A_103 = arith.constant 0 : i32
      %dma_start3A_104 = tpu.memref_slice %dma_start3A_102[%dma_start3A_103] : memref<1000000xf32, #tpu.memory_space<hbm>> -> memref<1000000xf32, #tpu.memory_space<hbm>>
      tpu.enqueue_indirect_dma source(%dma_start3A_104 : memref<1000000xf32, #tpu.memory_space<hbm>>) target(%dma_start3A_97 : memref<128xf32, #tpu.memory_space<vmem>>) offsets(%dma_start3A_99 : memref<128xi32, #tpu.memory_space<vmem>>) semaphore(%arg12 : memref<!tpu.dma_semaphore, #tpu.memory_space<semaphore_mem>>)
    }
    %scan3A_7 = arith.constant 64 : i32
    %dma_wait3A = arith.constant 0 : i32
    %dma_wait3A_8 = arith.constant 0 : i32
    %dma_wait3A_9 = tpu.memref_slice %arg2[%dma_wait3A, %dma_wait3A_8] : memref<64x1000000xf32, #tpu.memory_space<hbm>> -> memref<64x512xf32, #tpu.memory_space<hbm>>
    %dma_wait3A_10 = arith.constant 0 : i32
    %dma_wait3A_11 = arith.constant 0 : i32
    %dma_wait3A_12 = tpu.memref_slice %arg2[%dma_wait3A_10, %dma_wait3A_11] : memref<64x1000000xf32, #tpu.memory_space<hbm>> -> memref<64x512xf32, #tpu.memory_space<hbm>>
    tpu.wait_dma2 semaphore(%arg11 : memref<!tpu.dma_semaphore, #tpu.memory_space<semaphore_mem>>) src(%dma_wait3A_12 : memref<64x512xf32, #tpu.memory_space<hbm>>) dst(%arg8 : memref<64x512xf32, #tpu.memory_space<vmem>>)
    %dma_wait3A_13 = arith.constant 0 : i32
    %dma_wait3A_14 = arith.constant 0 : i32
    %dma_wait3A_15 = tpu.memref_slice %arg2[%dma_wait3A_13, %dma_wait3A_14] : memref<64x1000000xf32, #tpu.memory_space<hbm>> -> memref<64x512xf32, #tpu.memory_space<hbm>>
    %dma_wait3A_16 = arith.constant 0 : i32
    %dma_wait3A_17 = arith.constant 0 : i32
    %dma_wait3A_18 = tpu.memref_slice %arg2[%dma_wait3A_16, %dma_wait3A_17] : memref<64x1000000xf32, #tpu.memory_space<hbm>> -> memref<64x512xf32, #tpu.memory_space<hbm>>
    tpu.wait_dma2 semaphore(%arg12 : memref<!tpu.dma_semaphore, #tpu.memory_space<semaphore_mem>>) src(%dma_wait3A_18 : memref<64x512xf32, #tpu.memory_space<hbm>>) dst(%arg9 : memref<64x512xf32, #tpu.memory_space<vmem>>)
    %scan3A_19 = arith.constant 0 : i32
    %scan3A_20 = arith.constant 0 : i32
    %scan3A_21 = arith.constant 32 : i32
    %scan3A_22 = arith.addi %scan3A_20, %scan3A_21 : i32
    %scan3A_23 = arith.constant 1 : i32
    scf.for %scan3A_25 = %scan3A_20 to %scan3A_22 step %scan3A_23  : i32 {
      %broadcast_in_dim3A = arith.constant 0.000000e+00 : f32
      %broadcast_in_dim3A_26 = vector.broadcast %broadcast_in_dim3A : f32 to vector<16xf32>
      %scan3A_27 = arith.constant 0 : i32
      %scan3A_28 = arith.constant 64 : i32
      %scan3A_29 = arith.addi %scan3A_27, %scan3A_28 : i32
      %scan3A_30 = arith.constant 8 : i32
      %scan3A_31 = scf.for %scan3A_43 = %scan3A_27 to %scan3A_29 step %scan3A_30 iter_args(%scan3A_44 = %broadcast_in_dim3A_26) -> (vector<16xf32>)  : i32 {
        %mul3A_45 = arith.constant 16 : i32
        %mul3A_46 = arith.muli %scan3A_25, %mul3A_45 : i32
        %get3A = arith.index_cast %scan3A_43 : i32 to index
        %get3A_47 = arith.index_cast %mul3A_46 : i32 to index
        %get3A_48 = tpu.vector_load %arg8[%get3A, %get3A_47] {strides = array<i32>} : memref<64x512xf32, #tpu.memory_space<vmem>>, vector<16xf32>,
        %mul3A_49 = arith.constant 16 : i32
        %mul3A_50 = arith.muli %scan3A_25, %mul3A_49 : i32
        %get3A_51 = arith.index_cast %scan3A_43 : i32 to index
        %get3A_52 = arith.index_cast %mul3A_50 : i32 to index
        %get3A_53 = tpu.vector_load %arg9[%get3A_51, %get3A_52] {strides = array<i32>} : memref<64x512xf32, #tpu.memory_space<vmem>>, vector<16xf32>,
        %mul3A_54 = arith.mulf %get3A_48, %get3A_53 : vector<16xf32>
        %add3A_55 = arith.addf %scan3A_44, %mul3A_54 : vector<16xf32>
        %scan3A_56 = arith.constant 1 : i32
        %scan3A_57 = arith.addi %scan3A_43, %scan3A_56 : i32
        %mul3A_58 = arith.constant 16 : i32
        %mul3A_59 = arith.muli %scan3A_25, %mul3A_58 : i32
        %get3A_60 = arith.index_cast %scan3A_57 : i32 to index
        %get3A_61 = arith.index_cast %mul3A_59 : i32 to index
        %get3A_62 = tpu.vector_load %arg8[%get3A_60, %get3A_61] {strides = array<i32>} : memref<64x512xf32, #tpu.memory_space<vmem>>, vector<16xf32>,
        %mul3A_63 = arith.constant 16 : i32
        %mul3A_64 = arith.muli %scan3A_25, %mul3A_63 : i32
        %get3A_65 = arith.index_cast %scan3A_57 : i32 to index
        %get3A_66 = arith.index_cast %mul3A_64 : i32 to index
        %get3A_67 = tpu.vector_load %arg9[%get3A_65, %get3A_66] {strides = array<i32>} : memref<64x512xf32, #tpu.memory_space<vmem>>, vector<16xf32>,
        %mul3A_68 = arith.mulf %get3A_62, %get3A_67 : vector<16xf32>
        %add3A_69 = arith.addf %add3A_55, %mul3A_68 : vector<16xf32>
        %scan3A_70 = arith.constant 2 : i32
        %scan3A_71 = arith.addi %scan3A_43, %scan3A_70 : i32
        %mul3A_72 = arith.constant 16 : i32
        %mul3A_73 = arith.muli %scan3A_25, %mul3A_72 : i32
        %get3A_74 = arith.index_cast %scan3A_71 : i32 to index
        %get3A_75 = arith.index_cast %mul3A_73 : i32 to index
        %get3A_76 = tpu.vector_load %arg8[%get3A_74, %get3A_75] {strides = array<i32>} : memref<64x512xf32, #tpu.memory_space<vmem>>, vector<16xf32>,
        %mul3A_77 = arith.constant 16 : i32
        %mul3A_78 = arith.muli %scan3A_25, %mul3A_77 : i32
        %get3A_79 = arith.index_cast %scan3A_71 : i32 to index
        %get3A_80 = arith.index_cast %mul3A_78 : i32 to index
        %get3A_81 = tpu.vector_load %arg9[%get3A_79, %get3A_80] {strides = array<i32>} : memref<64x512xf32, #tpu.memory_space<vmem>>, vector<16xf32>,
        %mul3A_82 = arith.mulf %get3A_76, %get3A_81 : vector<16xf32>
        %add3A_83 = arith.addf %add3A_69, %mul3A_82 : vector<16xf32>
        %scan3A_84 = arith.constant 3 : i32
        %scan3A_85 = arith.addi %scan3A_43, %scan3A_84 : i32
        %mul3A_86 = arith.constant 16 : i32
        %mul3A_87 = arith.muli %scan3A_25, %mul3A_86 : i32
        %get3A_88 = arith.index_cast %scan3A_85 : i32 to index
        %get3A_89 = arith.index_cast %mul3A_87 : i32 to index
        %get3A_90 = tpu.vector_load %arg8[%get3A_88, %get3A_89] {strides = array<i32>} : memref<64x512xf32, #tpu.memory_space<vmem>>, vector<16xf32>,
        %mul3A_91 = arith.constant 16 : i32
        %mul3A_92 = arith.muli %scan3A_25, %mul3A_91 : i32
        %get3A_93 = arith.index_cast %scan3A_85 : i32 to index
        %get3A_94 = arith.index_cast %mul3A_92 : i32 to index
        %get3A_95 = tpu.vector_load %arg9[%get3A_93, %get3A_94] {strides = array<i32>} : memref<64x512xf32, #tpu.memory_space<vmem>>, vector<16xf32>,
        %mul3A_96 = arith.mulf %get3A_90, %get3A_95 : vector<16xf32>
        %add3A_97 = arith.addf %add3A_83, %mul3A_96 : vector<16xf32>
        %scan3A_98 = arith.constant 4 : i32
        %scan3A_99 = arith.addi %scan3A_43, %scan3A_98 : i32
        %mul3A_100 = arith.constant 16 : i32
        %mul3A_101 = arith.muli %scan3A_25, %mul3A_100 : i32
        %get3A_102 = arith.index_cast %scan3A_99 : i32 to index
        %get3A_103 = arith.index_cast %mul3A_101 : i32 to index
        %get3A_104 = tpu.vector_load %arg8[%get3A_102, %get3A_103] {strides = array<i32>} : memref<64x512xf32, #tpu.memory_space<vmem>>, vector<16xf32>,
        %mul3A_105 = arith.constant 16 : i32
        %mul3A_106 = arith.muli %scan3A_25, %mul3A_105 : i32
        %get3A_107 = arith.index_cast %scan3A_99 : i32 to index
        %get3A_108 = arith.index_cast %mul3A_106 : i32 to index
        %get3A_109 = tpu.vector_load %arg9[%get3A_107, %get3A_108] {strides = array<i32>} : memref<64x512xf32, #tpu.memory_space<vmem>>, vector<16xf32>,
        %mul3A_110 = arith.mulf %get3A_104, %get3A_109 : vector<16xf32>
        %add3A_111 = arith.addf %add3A_97, %mul3A_110 : vector<16xf32>
        %scan3A_112 = arith.constant 5 : i32
        %scan3A_113 = arith.addi %scan3A_43, %scan3A_112 : i32
        %mul3A_114 = arith.constant 16 : i32
        %mul3A_115 = arith.muli %scan3A_25, %mul3A_114 : i32
        %get3A_116 = arith.index_cast %scan3A_113 : i32 to index
        %get3A_117 = arith.index_cast %mul3A_115 : i32 to index
        %get3A_118 = tpu.vector_load %arg8[%get3A_116, %get3A_117] {strides = array<i32>} : memref<64x512xf32, #tpu.memory_space<vmem>>, vector<16xf32>,
        %mul3A_119 = arith.constant 16 : i32
        %mul3A_120 = arith.muli %scan3A_25, %mul3A_119 : i32
        %get3A_121 = arith.index_cast %scan3A_113 : i32 to index
        %get3A_122 = arith.index_cast %mul3A_120 : i32 to index
        %get3A_123 = tpu.vector_load %arg9[%get3A_121, %get3A_122] {strides = array<i32>} : memref<64x512xf32, #tpu.memory_space<vmem>>, vector<16xf32>,
        %mul3A_124 = arith.mulf %get3A_118, %get3A_123 : vector<16xf32>
        %add3A_125 = arith.addf %add3A_111, %mul3A_124 : vector<16xf32>
        %scan3A_126 = arith.constant 6 : i32
        %scan3A_127 = arith.addi %scan3A_43, %scan3A_126 : i32
        %mul3A_128 = arith.constant 16 : i32
        %mul3A_129 = arith.muli %scan3A_25, %mul3A_128 : i32
        %get3A_130 = arith.index_cast %scan3A_127 : i32 to index
        %get3A_131 = arith.index_cast %mul3A_129 : i32 to index
        %get3A_132 = tpu.vector_load %arg8[%get3A_130, %get3A_131] {strides = array<i32>} : memref<64x512xf32, #tpu.memory_space<vmem>>, vector<16xf32>,
        %mul3A_133 = arith.constant 16 : i32
        %mul3A_134 = arith.muli %scan3A_25, %mul3A_133 : i32
        %get3A_135 = arith.index_cast %scan3A_127 : i32 to index
        %get3A_136 = arith.index_cast %mul3A_134 : i32 to index
        %get3A_137 = tpu.vector_load %arg9[%get3A_135, %get3A_136] {strides = array<i32>} : memref<64x512xf32, #tpu.memory_space<vmem>>, vector<16xf32>,
        %mul3A_138 = arith.mulf %get3A_132, %get3A_137 : vector<16xf32>
        %add3A_139 = arith.addf %add3A_125, %mul3A_138 : vector<16xf32>
        %scan3A_140 = arith.constant 7 : i32
        %scan3A_141 = arith.addi %scan3A_43, %scan3A_140 : i32
        %mul3A_142 = arith.constant 16 : i32
        %mul3A_143 = arith.muli %scan3A_25, %mul3A_142 : i32
        %get3A_144 = arith.index_cast %scan3A_141 : i32 to index
        %get3A_145 = arith.index_cast %mul3A_143 : i32 to index
        %get3A_146 = tpu.vector_load %arg8[%get3A_144, %get3A_145] {strides = array<i32>} : memref<64x512xf32, #tpu.memory_space<vmem>>, vector<16xf32>,
        %mul3A_147 = arith.constant 16 : i32
        %mul3A_148 = arith.muli %scan3A_25, %mul3A_147 : i32
        %get3A_149 = arith.index_cast %scan3A_141 : i32 to index
        %get3A_150 = arith.index_cast %mul3A_148 : i32 to index
        %get3A_151 = tpu.vector_load %arg9[%get3A_149, %get3A_150] {strides = array<i32>} : memref<64x512xf32, #tpu.memory_space<vmem>>, vector<16xf32>,
        %mul3A_152 = arith.mulf %get3A_146, %get3A_151 : vector<16xf32>
        %add3A_153 = arith.addf %add3A_139, %mul3A_152 : vector<16xf32>
        scf.yield %add3A_153 : vector<16xf32>
      }
      %scan3A_32 = arith.constant 64 : i32
      %neg3A = arith.constant 0.000000e+00 : f32
      %neg3A_33 = vector.broadcast %neg3A : f32 to vector<16xf32>
      %neg3A_34 = arith.subf %neg3A_33, %scan3A_31 : vector<16xf32>
      %exp3A = math.exp %neg3A_34 : vector<16xf32>
      %add3A_35 = arith.constant 1.000000e+00 : f32
      %add3A_36 = vector.broadcast %add3A_35 : f32 to vector<16xf32>
      %add3A_37 = arith.addf %add3A_36, %exp3A : vector<16xf32>
      %div3A = arith.constant 1.000000e+00 : f32
      %div3A_38 = vector.broadcast %div3A : f32 to vector<16xf32>
      %div3A_39 = arith.divf %div3A_38, %add3A_37 : vector<16xf32>
      %mul3A_40 = arith.constant 16 : i32
      %mul3A_41 = arith.muli %scan3A_25, %mul3A_40 : i32
      %swap3A = arith.index_cast %mul3A_41 : i32 to index
      %swap3A_42 = tpu.vector_load %arg10[%swap3A] {strides = array<i32>} : memref<512xf32, #tpu.memory_space<vmem>>, vector<16xf32>,
      tpu.vector_store %arg10[%swap3A], %div3A_39 {strides = array<i32>} : memref<512xf32, #tpu.memory_space<vmem>>, vector<16xf32>,
    }
    %scan3A_24 = arith.constant 32 : i32
    "tpu.region"() ({
      %run_scoped3A = tpu.sem_alloc : memref<!tpu.dma_semaphore, #tpu.memory_space<semaphore_mem>>
      %dma_start3A = tpu.memref_slice %arg5[%mul3A_2] : memref<16384xf32, #tpu.memory_space<hbm>> -> memref<512xf32, #tpu.memory_space<hbm>>
      %dma_start3A_25 = tpu.memref_slice %arg5[%mul3A_2] : memref<16384xf32, #tpu.memory_space<hbm>> -> memref<512xf32, #tpu.memory_space<hbm>>
      tpu.enqueue_dma source(%arg10 : memref<512xf32, #tpu.memory_space<vmem>>) target(%dma_start3A_25 : memref<512xf32, #tpu.memory_space<hbm>>) target_semaphore(%run_scoped3A : memref<!tpu.dma_semaphore, #tpu.memory_space<semaphore_mem>>)
      %dma_wait3A_26 = tpu.memref_slice %arg5[%mul3A_2] : memref<16384xf32, #tpu.memory_space<hbm>> -> memref<512xf32, #tpu.memory_space<hbm>>
      %dma_wait3A_27 = tpu.memref_slice %arg5[%mul3A_2] : memref<16384xf32, #tpu.memory_space<hbm>> -> memref<512xf32, #tpu.memory_space<hbm>>
      tpu.wait_dma2 semaphore(%run_scoped3A : memref<!tpu.dma_semaphore, #tpu.memory_space<semaphore_mem>>) src(%arg10 : memref<512xf32, #tpu.memory_space<vmem>>) dst(%dma_wait3A_27 : memref<512xf32, #tpu.memory_space<hbm>>)
      tpu.yield
    }) : () -> ()
    return
  }
}

</mosaic_0001>

<sc_bundles>
// kernel: kernel.3.cloned.1.call-start
scs
__scs_entry_jumppad:
0x0: {  	(pc) =	sbr.rel $0x88, $3  }
0x1: {  	(tag) =	ssettag $0x0;
	lr =	simm.s32 $0x1  }
0x2: {  	[smem:$0x3F9E] =	sst lr;
	_ =	strace $0xD0000000  }
0x3: {  	_ = 	snop  }
0x4: {  	_ = 	snop  }
0x5: {  	_ = 	snop  }
0x6: {  	_ = 	snop  }
0x7: {  	_ = 	snop  }
__scs_overlays_trampoline_lowered:
0x8: {  	[smem:$0x3FAD] =	sst s0  }
0x9: {  	[smem:$0x3FAE] =	sst s1  }
0xa: {  	[smem:$0x3FAF] =	sst s2  }
0xb: {  	[smem:$0x3FB0] =	sst s3  }
0xc: {  	[smem:$0x3FB1] =	sst s4  }
0xd: {  	[smem:$0x3FB2] =	sst s5  }
0xe: {  	[smem:$0x3FB3] =	sst s6  }
0xf: {  	[smem:$0x3FB4] =	sst s7  }
0x10: {  	[smem:$0x3FB5] =	sst s8  }
0x11: {  	[smem:$0x3FB6] =	sst s9;
	s0 =	simm.s32 @!p0 $0x0  }
0x12: {  	s1 =	sld [smem:$0x3F9C];
	s0 =	simm.s32 @p0 $0x1  }
0x13: {  	[smem:$0x3FB7] =	sst s0;
	s0 =	simm.s32 @!p1 $0x0  }
0x14: {  	s2 =	sld [smem:$0x3F9B];
	s0 =	simm.s32 @p1 $0x1  }
0x15: {  	[smem:$0x3FB8] =	sst s0;
	s0 =	simm.s32 @!p2 $0x0  }
0x16: {  	s3 =	sld [smem:$0x3FDB];
	s0 =	simm.s32 @p2 $0x1  }
0x17: {  	s4 =	simm.s32 $0x1BF5;
	[smem:$0x3FBA] =	sst s0  }
0x18: {  	s0 =	sld [smem:$0x3F9D];
	_ =	swait.ge [sflag:s4], $0x0  }
0x19: {  	s7 =	sld [smem:$0x3F9E]  }
0x1a: {  	s8 =	sadd.s32 $0xFFFFE003, lr  }
0x1b: {  	s9 =	sadd.s32 $0xFFFFFEF7, lr;
	s5 =	simm.s32 $0xFFFFFFFF;
	p2 =	slt.u32 s8, $0xFFFFF086  }
0x1c: {  	p1 =	slt.u32 s9, $0xF7A;
	s5 =	simm.s32 @!p2 $0x0  }
0x1d: {  	s5 =	simm.s32 @p1 $0x1;
	p0 =	seq.s32 s7, s2  }
0x1e: {  	s7 =	smul.u32 @!p0 $0xF7A, s2;
	p2 =	seq.s32 @!p0 s5, $0x0  }
0x1f: {  	s9 =	smul.u32 $0xF7A, s1;
	s8 =	simm.s32 @!p0 $0x1BF5;
	p2 =	por !p2, p0  }
0x20: {  	[sflag:s8] =	ssyncset.s32 @!p0 $0xFFFFF086;
	s6 =	sadd.s32 @!p0 s3, s7;
	s7 =	simm.s32 @!p0 $0x108  }
0x21: {  	s3 =	sadd.s32 s3, s9;
	s6 =	sadd.s32 @!p0 $0x88, s6;
	s7 =	simm.s32 @p2 $0x1082  }
0x22: {  	[simem:s7], [sflag:s8] =	dma.local @!p0 [hbm:s6], $0xF7A  }
0x23: {  	s9 =	sor.u32 $0xD0000000, s2;
	s6 =	simm.s32 $0x108;
	_ =	swait.ge @!p0 [sflag:s8], $0x0  }
0x24: {  	s3 =	sadd.s32 $0x88, s3;
	s6 =	simm.s32 @!p1 $0x1082;
	[sflag:s4] =	ssyncset.s32 $0xFFFFF086  }
0x25: {  	[simem:s6], [sflag:s4] =	dma.local [hbm:s3], $0xF7A  }
0x26: {  	[smem:$0x3F9E] =	sst s1;
	(tag) =	ssettag s2;
	_ =	strace s9  }
0x27: {  	s1 =	sld [smem:$0x3FAE]  }
0x28: {  	s2 =	sld [smem:$0x3FAF]  }
0x29: {  	s4 =	sld [smem:$0x3FB1]  }
0x2a: {  	p0 =	seq.s32 s5, $0x0;
	s5 =	sld [smem:$0x3FB2]  }
0x2b: {  	s6 =	sld [smem:$0x3FB3]  }
0x2c: {  	s7 =	sld [smem:$0x3FB4]  }
0x2d: {  	s3 =	simm.s32 $0x108;
	s8 =	sld [smem:$0x3FB5]  }
0x2e: {  	s3 =	simm.s32 @!p0 $0x1082;
	s9 =	sld [smem:$0x3FB6]  }
0x2f: {  	lr =	sadd.s32 s0, s3;
	s0 =	sld [smem:$0x3FAD]  }
0x30: {  	s3 =	sld [smem:$0x3FB0]  }
0x31: {  	[smem:$0x3FB9] =	sst s10  }
0x32: {  	s10 =	sld [smem:$0x3FB7];
	_ =	sdelay $0x3  }
0x33: {  	p0 =	seq.s32 s10, $0x1;
	s10 =	sld [smem:$0x3FB9];
	_ =	sdelay $0x3  }
0x34: {  	[smem:$0x3FB9] =	sst s10  }
0x35: {  	s10 =	sld [smem:$0x3FB8];
	_ =	sdelay $0x3  }
0x36: {  	p1 =	seq.s32 s10, $0x1;
	s10 =	sld [smem:$0x3FB9];
	_ =	sdelay $0x3  }
0x37: {  	[smem:$0x3FB9] =	sst s10  }
0x38: {  	s10 =	sld [smem:$0x3FBA]  }
0x39: {  	_ = 	snop;
	(pc) =	sbr.ind lr, $3  }
0x3a: {  	_ = 	snop  }
0x3b: {  	_ = 	snop  }
0x3c: {  	p2 =	seq.s32 s10, $0x1;
	s10 =	sld [smem:$0x3FB9]  }
0x3d: {  	_ =	shalt  }
0x3e: {  	_ =	shalt  }
0x3f: {  	_ =	shalt  }
0x40: {  	_ =	shalt  }
0x41: {  	_ =	shalt  }
0x42: {  	_ =	shalt  }
0x43: {  	_ =	shalt  }
0x44: {  	_ =	shalt  }
0x45: {  	_ =	shalt  }
0x46: {  	_ =	shalt  }
0x47: {  	_ =	shalt  }
0x48: {  	_ =	shalt  }
0x49: {  	_ =	shalt  }
0x4a: {  	_ =	shalt  }
0x4b: {  	_ =	shalt  }
0x4c: {  	_ =	shalt  }
0x4d: {  	_ =	shalt  }
0x4e: {  	_ =	shalt  }
0x4f: {  	_ =	shalt  }
0x50: {  	_ =	shalt  }
0x51: {  	_ =	shalt  }
0x52: {  	_ =	shalt  }
0x53: {  	_ =	shalt  }
0x54: {  	_ =	shalt  }
0x55: {  	_ =	shalt  }
0x56: {  	_ =	shalt  }
0x57: {  	_ =	shalt  }
0x58: {  	_ =	shalt  }
0x59: {  	_ =	shalt  }
0x5a: {  	_ =	shalt  }
0x5b: {  	_ =	shalt  }
0x5c: {  	_ =	shalt  }
0x5d: {  	_ =	shalt  }
0x5e: {  	_ =	shalt  }
0x5f: {  	_ =	shalt  }
0x60: {  	_ =	shalt  }
0x61: {  	_ =	shalt  }
0x62: {  	_ =	shalt  }
0x63: {  	_ =	shalt  }
0x64: {  	_ =	shalt  }
0x65: {  	_ =	shalt  }
0x66: {  	_ =	shalt  }
0x67: {  	_ =	shalt  }
0x68: {  	_ =	shalt  }
0x69: {  	_ =	shalt  }
0x6a: {  	_ =	shalt  }
0x6b: {  	_ =	shalt  }
0x6c: {  	_ =	shalt  }
0x6d: {  	_ =	shalt  }
0x6e: {  	_ =	shalt  }
0x6f: {  	_ =	shalt  }
0x70: {  	_ =	shalt  }
0x71: {  	_ =	shalt  }
0x72: {  	_ =	shalt  }
0x73: {  	_ =	shalt  }
0x74: {  	_ =	shalt  }
0x75: {  	_ =	shalt  }
0x76: {  	_ =	shalt  }
0x77: {  	_ =	shalt  }
0x78: {  	_ =	shalt  }
0x79: {  	_ =	shalt  }
0x7a: {  	_ =	shalt  }
0x7b: {  	_ =	shalt  }
0x7c: {  	_ =	shalt  }
0x7d: {  	_ =	shalt  }
0x7e: {  	_ =	shalt  }
0x7f: {  	_ =	shalt  }
0x80: {  	_ =	shalt  }
0x81: {  	_ =	shalt  }
0x82: {  	_ =	shalt  }
0x83: {  	_ =	shalt  }
0x84: {  	_ =	shalt  }
0x85: {  	_ =	shalt  }
0x86: {  	_ =	shalt  }
0x87: {  	_ =	shalt  }
.Lfunc_end0:
.L_simem_size_0:
called_computation_lowered:
.L_overlay_start_0:
0x88: {  	s2 =	sld [smem:$0x3FD9]  }
0x89: {  	s3 =	sld [smem:$0x3FFE];
	_ =	sdelay $0x1  }
0x8a: {  	s1 =	srdreg.scid  }
0x8b: {  	s0 =	sand.u32 $0x1, s1  }
0x8c: {  	s17 =	sshll.u32 s0, $0xA;
	s2 =	sadd.s32 s3, s2  }
0x8d: {  	s2 =	sadd.s32 s2, s17  }
0x8e: {  	[smem:$0x3FC5] =	sst s2  }
0x8f: {  	_ = 	snop  }
0x90: {  	s2 =	sld [smem:$0x3FC8]  }
0x91: {  	s18 =	sld [smem:$0x3FC7]  }
0x92: {  	s4 =	sld [smem:$0x3FD0];
	(tm) =	ssettm $0x1  }
0x93: {  	s5 =	sld [smem:$0x3FFB];
	_ =	sdelay $0x3  }
0x94: {  	_ =	strace s5  }
0x95: {  	s5 =	sld [smem:$0x3FFC];
	_ =	sdelay $0x3  }
0x96: {  	_ =	strace s5  }
0x97: {  	s5 =	sld [smem:$0x3FFD];
	_ =	sdelay $0x3  }
0x98: {  	_ =	strace s5  }
0x99: {  	_ =	strace $0x8FFFFFFF  }
0x9a: {  	s19 =	sld [smem:$0x3FDB];
	_ =	sdelay $0x1  }
0x9b: {  	s6 =	simm.s32 $_scs_section_size  }
0x9c: {  	s7 =	simm.s32 $_size__tile_overlayer_lowered;
	s8 =	simm.s32 $_tile_overlayer_lowered  }
0x9d: {  	s22 =	simm.s32 $0x1BFF;
	s21 =	sshll.u32 s8, $0x1;
	s5 =	sadd.s32 s6, s19  }
0x9e: {  	s9 =	simm.s32 $0x0;
	s20 =	sshll.u32 s7, $0x1;
	s7 =	sadd.s32 s21, s5  }
0x9f: {  	[timem:s9], [sflag:s22] =	dma.local [hbm:s7], s20  }
0xa0: {  	_ =	swait.ge [sflag:s22], s20  }
0xa1: {  	s6 =	ssub.s32 $0x0, s20;
	[sflag:s22] =	ssyncset.done $0x0  }
0xa2: {  	[sflag:s22] =	ssyncadd.s32 s6;
	_ =	sdelay $0x1  }
0xa3: {  	s23 =	simm.s32 $0x1B8B  }
0xa4: {  	_ =	swait.ge [sflag:s23], $0x1  }
0xa5: {  	[sflag:s23] =	ssyncset.done $0x0  }
0xa6: {  	s25 =	simm.s32 $0x1B8E;
	s24 =	sld [smem:$0x3FFE];
	[sflag:s23] =	ssyncadd.s32 $0xFFFFFFFF  }
0xa7: {  	s26 =	simm.s32 $execute0_lowered;
	[smem:$0x3FD2] =	sst s25  }
0xa8: {  	s7 =	sshll.u32 s26, $0x1;
	_ =	strace $0x80000046;
	[dreg:$0x1] =	wrdreg $0xFFFFFFFF  }
0xa9: {  	s28 =	simm.s32 $_size_execute0_lowered;
	s5 =	sadd.s32 s5, s7;
	[dreg:$0x0] =	wrdreg $0x0  }
0xaa: {  	s7 =	sshll.u32 s28, $0x1;
	[dreg:$0x2] =	wrdreg s5  }
0xab: {  	[dreg:$0x3] =	wrdreg s7  }
0xac: {  	[dreg:$0x4] =	wrdreg $0xC0  }
0xad: {  	_ =	task [dreg:s9], $0x5FFFF  }
0xae: {  	[dreg:$0x1] =	wrdreg $0xFFFFFFFF  }
0xaf: {  	[dreg:$0x0] =	wrdreg $0x60  }
0xb0: {  	[dreg:$0x2] =	wrdreg s24  }
0xb1: {  	[dreg:$0x3] =	wrdreg s2  }
0xb2: {  	[dreg:$0x4] =	wrdreg s18  }
0xb3: {  	[dreg:$0x5] =	wrdreg s4  }
0xb4: {  	[dreg:$0x6] =	wrdreg $0x9  }
0xb5: {  	_ =	task.clear_ibuf [dreg:s9], $0x7FFFF;
	_ =	strace $0x90000046  }
0xb6: {  	s29 =	simm.s32 $0x9;
	_ =	strace $0x80000048  }
0xb7: {  	_ =	swait.ge [sflag:s29], $0x1  }
0xb8: {  	[sflag:s29] =	ssyncadd.s32 $0xFFFFFFFF  }
0xb9: {  	_ =	strace $0x90000048  }
0xba: {  	_ =	sfence  }
0xbb: {  	s30 =	sld [smem:$0x0];
	_ =	sdelay $0x2  }
0xbc: {  	s31 =	sshll.u32 s1, $0xD;
	s1 =	sshrl.u32 s1, $0x2  }
0xbd: {  	s3 =	sand.u32 $0x4000, s31;
	s1 =	sadd.s32 s1, s30  }
0xbe: {  	s0 =	sor.u32 s3, s0;
	s1 =	sshll.u32 s1, $0x11  }
0xbf: {  	s0 =	sor.u32 s1, s0  }
0xc0: {  	s0 =	sadd.s32 $0x8F2B, s0  }
0xc1: {  	[sflag:s0] =	ssyncadd.remote.s32 $0x1  }
0xc2: {  	_ =	sfence.sel $0xFFFF  }
0xc3: {  	[dreg:$0x0] =	wrdreg $0xFFFFFFFF;
	(pc) =	sbr.abs _section_cstart, $3  }
0xc4: {  	[dreg:$0x1] =	wrdreg $0xFFFFFFFF  }
0xc5: {  	_ =	task.clear_ibuf [dreg:s9], $0x2FFFF;
	_ =	strace $0x9FFFFFFF  }
0xc6: {  	(tm) =	ssettm $0x7FFFFFFF  }
0xc7: {  	_ =	shalt  }
tec
execute0_lowered:
.L_overlay_start_1:
0x0: {  	(tag) =	ssettag $0x1  }
0x1: {  	s3 =	rddreg [dreg:$0x0]  }
0x2: {  	s4 =	rddreg [dreg:$0x1]  }
0x3: {  	s5 =	rddreg [dreg:$0x2]  }
0x4: {  	s6 =	rddreg [dreg:$0x3]  }
0x5: {  	s0 =	rddreg [dreg:$0x4];
	s2 =	simm.s32 $0x0;
	s7 =	srdreg.scid  }
0x6: {  	s1 =	stileid.u32;
	s11 =	simm.s32 $0x280;
	s12 =	simm.s32 $0x100  }
0x7: {  	s13 =	simm.s32 $0x300;
	s14 =	simm.s32 $0x180;
	s15 =	simm.s32 $0x380  }
0x8: {  	s16 =	simm.s32 $0x1;
	s17 =	simm.s32 $0x2;
	s18 =	simm.s32 $0x10400  }
0x9: {  	s19 =	simm.s32 $0x0;
	[smem:$0x7FF] =	sst s2;
	s7 =	sand.u32 $0x1, s7  }
0xa: {  	s9 =	sshll.u32 s1, $0x7;
	s3 =	sadd.s32 $0x200, s3;
	s8 =	ssub.s32 $0x2, s7  }
0xb: {  	s7 =	sshll.u32 s7, $0x6;
	_ =	strace $0x80000047;
	s10 =	sshrl.u32 s8, $0x1  }
0xc: {  	s7 =	sor.u32 s7, s9;
	s9 =	simm.s32 $0x200;
	s8 =	ssub.s32 s8, s10  }
0xd: {  	s4 =	sadd.s32 s4, s7;
	s5 =	sadd.s32 s5, s7;
	s6 =	sadd.s32 s6, s7  }
0xe: {  	s10 =	simm.s32 $0x80;
	s7 =	smax.u32 s8, $0x1;
	s8 =	simm.s32 $0x3  }
.LBB2_1:
0xf: {  	[tilespmem:s2], [sflag:$0x3] =	stream.linear.gather [hbm4b:s4+s2], $0x200, $0x38;
	[tilespmem:$0x10600] =	vst v63  }
0x10: {  	_ =	swait.ge [sflag:s8], $0x200  }
0x11: {  	[sflag:s8] =	ssyncset.done $0x0  }
0x12: {  	[sflag:s8] =	ssyncadd.s32 $0xFFFFFE00  }
0x13: {  	[tilespmem:s9], [sflag:$0x3] =	stream.linear.gather [hbm4b:s5+s2], $0x200, $0x38;
	[tilespmem:$0x10600] =	vst v63  }
0x14: {  	_ =	swait.ge [sflag:s8], $0x200  }
0x15: {  	[sflag:s8] =	ssyncset.done $0x0  }
0x16: {  	s20 =	simm.s32 $0x400;
	[sflag:s8] =	ssyncadd.s32 $0xFFFFFE00  }
0x17: {  	[tilespmem:s20], [sflag:$0x1] =	stream.indirect.gather [hbm4b:s3+s10], $0x1, s2, s10, $0xb8;
	[tilespmem:$0x10600] =	vst v63  }
0x18: {  	s25 =	simm.s32 $0x8400  }
0x19: {  	[tilespmem:s25], [sflag:$0x2] =	stream.indirect.gather [hbm4b:s3+s10], $0x1, s9, s10, $0xb8;
	[tilespmem:$0x10600] =	vst v63  }
0x1a: {  	s26 =	simm.s32 $0x480  }
0x1b: {  	[tilespmem:s26], [sflag:$0x1] =	stream.indirect.gather [hbm4b:s3+s10], $0x1, s10, s10, $0xb8;
	[tilespmem:$0x10600] =	vst v63  }
0x1c: {  	s28 =	simm.s32 $0x8480  }
0x1d: {  	[tilespmem:s28], [sflag:$0x2] =	stream.indirect.gather [hbm4b:s3+s10], $0x1, s11, s10, $0xb8;
	[tilespmem:$0x10600] =	vst v63  }
0x1e: {  	s29 =	simm.s32 $0x500;
	s30 =	simm.s32 $0x8500  }
0x1f: {  	[tilespmem:s29], [sflag:$0x1] =	stream.indirect.gather [hbm4b:s3+s10], $0x1, s12, s10, $0xb8;
	[tilespmem:$0x10600] =	vst v63  }
0x20: {  	s31 =	simm.s32 $0x580;
	s23 =	simm.s32 $0x1000;
	s24 =	simm.s32 $0x8580  }
0x21: {  	[tilespmem:s30], [sflag:$0x2] =	stream.indirect.gather [hbm4b:s3+s10], $0x1, s13, s10, $0xb8;
	[tilespmem:$0x10600] =	vst v63  }
0x22: {  	s21 =	sadd.s32 $0x1E848, s3;
	s22 =	smov.u32 s3;
	s20 =	simm.s32 $0x200  }
0x23: {  	[tilespmem:s31], [sflag:$0x1] =	stream.indirect.gather [hbm4b:s3+s10], $0x1, s14, s10, $0xb8;
	[tilespmem:$0x10600] =	vst v63  }
.LBB2_2:
0x24: {  	[tilespmem:s24], [sflag:$0x2] =	stream.indirect.gather [hbm4b:s22+s10], $0x1, s15, s10, $0xb8;
	[tilespmem:$0x10600] =	vst v63  }
0x25: {  	s24 =	smov.u32 s23;
	s22 =	smov.u32 s21  }
0x26: {  	s26 =	sadd.s32 $0x800, s23;
	s25 =	sshra.s32 s24, $0x2;
	s24 =	sadd.s32 $0x400, s20  }
0x27: {  	[tilespmem:s24], [sflag:$0x1] =	stream.indirect.gather [hbm4b:s21+s10], $0x1, s2, s10, $0xb8;
	[tilespmem:$0x10600] =	vst v63  }
0x28: {  	p0 =	sne.s32 s23, $0x1F800;
	s23 =	sadd.s32 $0x8400, s20  }
0x29: {  	[tilespmem:s23], [sflag:$0x2] =	stream.indirect.gather [hbm4b:s21+s10], $0x1, s9, s10, $0xb8;
	[tilespmem:$0x10600] =	vst v63  }
0x2a: {  	s23 =	sadd.s32 $0x480, s20  }
0x2b: {  	[tilespmem:s23], [sflag:$0x1] =	stream.indirect.gather [hbm4b:s21+s10], $0x1, s10, s10, $0xb8;
	[tilespmem:$0x10600] =	vst v63  }
0x2c: {  	s23 =	sadd.s32 $0x8480, s20  }
0x2d: {  	[tilespmem:s23], [sflag:$0x2] =	stream.indirect.gather [hbm4b:s21+s10], $0x1, s11, s10, $0xb8;
	[tilespmem:$0x10600] =	vst v63  }
0x2e: {  	s23 =	sadd.s32 $0x500, s20  }
0x2f: {  	[tilespmem:s23], [sflag:$0x1] =	stream.indirect.gather [hbm4b:s21+s10], $0x1, s12, s10, $0xb8;
	[tilespmem:$0x10600] =	vst v63  }
.Ltmp0:
0x30: {  	s23 =	sadd.s32 $0x8500, s20;
	(pc) =	sbr.rel @p0 .LBB2_2-.Ltmp0, $4  }
0x31: {  	[tilespmem:s23], [sflag:$0x2] =	stream.indirect.gather [hbm4b:s21+s10], $0x1, s13, s10, $0xb8;
	[tilespmem:$0x10600] =	vst v63  }
0x32: {  	s24 =	sadd.s32 $0x8580, s20;
	s23 =	sadd.s32 $0x580, s20  }
0x33: {  	[tilespmem:s23], [sflag:$0x1] =	stream.indirect.gather [hbm4b:s21+s10], $0x1, s14, s10, $0xb8;
	[tilespmem:$0x10600] =	vst v63  }
0x34: {  	s20 =	smov.u32 s25;
	s21 =	sadd.s32 $0x1E848, s21;
	s23 =	smov.u32 s26  }
0x35: {  	[tilespmem:s24], [sflag:$0x2] =	stream.indirect.gather [hbm4b:s22+s10], $0x1, s15, s10, $0xb8;
	[tilespmem:$0x10600] =	vst v63  }
0x36: {  	s23 =	sadd.s32 $0x400, s20  }
0x37: {  	[tilespmem:s23], [sflag:$0x1] =	stream.indirect.gather [hbm4b:s21+s10], $0x1, s2, s10, $0xb8;
	[tilespmem:$0x10600] =	vst v63  }
0x38: {  	s24 =	sadd.s32 $0x8400, s20  }
0x39: {  	[tilespmem:s24], [sflag:$0x2] =	stream.indirect.gather [hbm4b:s21+s10], $0x1, s9, s10, $0xb8;
	[tilespmem:$0x10600] =	vst v63  }
0x3a: {  	s25 =	sadd.s32 $0x480, s20  }
0x3b: {  	[tilespmem:s25], [sflag:$0x1] =	stream.indirect.gather [hbm4b:s21+s10], $0x1, s10, s10, $0xb8;
	[tilespmem:$0x10600] =	vst v63  }
0x3c: {  	s26 =	sadd.s32 $0x8480, s20  }
0x3d: {  	[tilespmem:s26], [sflag:$0x2] =	stream.indirect.gather [hbm4b:s21+s10], $0x1, s11, s10, $0xb8;
	[tilespmem:$0x10600] =	vst v63  }
0x3e: {  	s28 =	sadd.s32 $0x500, s20  }
0x3f: {  	[tilespmem:s28], [sflag:$0x1] =	stream.indirect.gather [hbm4b:s21+s10], $0x1, s12, s10, $0xb8;
	[tilespmem:$0x10600] =	vst v63  }
0x40: {  	s29 =	sadd.s32 $0x8500, s20  }
0x41: {  	[tilespmem:s29], [sflag:$0x2] =	stream.indirect.gather [hbm4b:s21+s10], $0x1, s13, s10, $0xb8;
	[tilespmem:$0x10600] =	vst v63  }
0x42: {  	s30 =	sadd.s32 $0x580, s20  }
0x43: {  	[tilespmem:s30], [sflag:$0x1] =	stream.indirect.gather [hbm4b:s21+s10], $0x1, s14, s10, $0xb8;
	[tilespmem:$0x10600] =	vst v63  }
0x44: {  	s31 =	sadd.s32 $0x8580, s20  }
0x45: {  	[tilespmem:s31], [sflag:$0x2] =	stream.indirect.gather [hbm4b:s21+s10], $0x1, s15, s10, $0xb8;
	[tilespmem:$0x10600] =	vst v63  }
0x46: {  	_ =	swait.ge [sflag:s16], $0x8000  }
0x47: {  	[sflag:s16] =	ssyncset.done $0x0  }
0x48: {  	[sflag:s16] =	ssyncadd.s32 $0xFFFF8000  }
0x49: {  	_ =	swait.ge [sflag:s17], $0x8000  }
0x4a: {  	s20 =	simm.s32 $0x0;
	[sflag:s17] =	ssyncset.done $0x0  }
0x4b: {  	s22 =	simm.s32 $0x8C00;
	s21 =	simm.s32 $0xC00;
	[sflag:s17] =	ssyncadd.s32 $0xFFFF8000  }
.LBB2_4:
0x4c: {  	v0 =	vld [tilespmem:s21+$0xFFFFF800]  }
0x4d: {  	v1 =	vld [tilespmem:s22+$0xFFFFF800]  }
0x4e: {  	v2 =	vld [tilespmem:s21+$0xFFFFFA00]  }
0x4f: {  	v3 =	vld [tilespmem:s22+$0xFFFFFA00]  }
0x50: {  	v4 =	vld [tilespmem:s21+$0xFFFFFC00]  }
0x51: {  	v5 =	vld [tilespmem:s22+$0xFFFFFC00]  }
0x52: {  	v6 =	vld [tilespmem:s21+$0xFFFFFE00];
	v0 =	vmul.f32 v1, v0  }
0x53: {  	v7 =	vld [tilespmem:s22+$0xFFFFFE00];
	v1 =	vimm.f32 $0.0e+00  }
0x54: {  	v8 =	vld [tilespmem:s21+$0x0];
	v2 =	vmul.f32 v3, v2;
	v0 =	vadd.f32 v0, v1  }
0x55: {  	v9 =	vld [tilespmem:s22+$0x0]  }
0x56: {  	v3 =	vmul.f32 v5, v4;
	v4 =	vld [tilespmem:s22+$0x200];
	v2 =	vadd.f32 v2, v0  }
0x57: {  	v1 =	vld [tilespmem:s21+$0x200]  }
0x58: {  	v6 =	vmul.f32 v7, v6;
	v0 =	vld [tilespmem:s21+$0x400];
	v5 =	vadd.f32 v3, v2  }
0x59: {  	v3 =	vld [tilespmem:s22+$0x400]  }
0x5a: {  	v7 =	vmul.f32 v9, v8;
	v2 =	vld [tilespmem:s21+$0x600];
	v6 =	vadd.f32 v6, v5  }
0x5b: {  	s23 =	simm.s32 $0x0;
	s24 =	sadd.s32 $0x1000, s21;
	s25 =	smov.u32 s22;
	v5 =	vld [tilespmem:s22+$0x600]  }
.LBB2_5:
0x5c: {  	v8 =	vld [tilespmem:s24+$0xFFFFF800];
	v6 =	vadd.f32 v7, v6;
	v1 =	vmul.f32 v4, v1;
	s25 =	sadd.s32 $0x1000, s25  }
0x5d: {  	s23 =	sadd.s32 $0x8, s23;
	v4 =	vld [tilespmem:s25+$0xFFFFF800]  }
0x5e: {  	p0 =	slt.u32 s23, $0x38;
	v7 =	vld [tilespmem:s24+$0xFFFFFA00];
	v1 =	vadd.f32 v1, v6;
	v0 =	vmul.f32 v3, v0  }
0x5f: {  	v3 =	vld [tilespmem:s25+$0xFFFFFA00]  }
0x60: {  	v6 =	vld [tilespmem:s24+$0xFFFFFC00];
	v0 =	vadd.f32 v0, v1;
	v1 =	vmul.f32 v5, v2  }
0x61: {  	v2 =	vld [tilespmem:s25+$0xFFFFFC00]  }
0x62: {  	v4 =	vmul.f32 v4, v8;
	v5 =	vld [tilespmem:s24+$0xFFFFFE00];
	v0 =	vadd.f32 v1, v0  }
0x63: {  	v8 =	vld [tilespmem:s25+$0xFFFFFE00]  }
0x64: {  	v0 =	vadd.f32 v4, v0;
	v1 =	vmul.f32 v3, v7;
	v7 =	vld [tilespmem:s24+$0x0]  }
0x65: {  	v9 =	vld [tilespmem:s25+$0x0]  }
0x66: {  	v0 =	vadd.f32 v1, v0;
	v2 =	vmul.f32 v2, v6;
	v1 =	vld [tilespmem:s24+$0x200]  }
.Ltmp1:
0x67: {  	v4 =	vld [tilespmem:s25+$0x200];
	(pc) =	sbr.rel @p0 .LBB2_5-.Ltmp1, $4  }
0x68: {  	v2 =	vadd.f32 v2, v0;
	v5 =	vmul.f32 v8, v5;
	v0 =	vld [tilespmem:s24+$0x400]  }
0x69: {  	v3 =	vld [tilespmem:s25+$0x400]  }
0x6a: {  	v6 =	vadd.f32 v5, v2;
	v7 =	vmul.f32 v9, v7;
	v2 =	vld [tilespmem:s24+$0x600]  }
0x6b: {  	s24 =	sadd.s32 $0x1000, s24;
	v5 =	vld [tilespmem:s25+$0x600]  }
0x6c: {  	v6 =	vadd.f32 v7, v6;
	v1 =	vmul.f32 v4, v1;
	_ =	sdelay $0x1  }
0x6d: {  	v1 =	vadd.f32 v1, v6;
	v0 =	vmul.f32 v3, v0;
	_ =	sdelay $0x1  }
0x6e: {  	v0 =	vadd.f32 v0, v1;
	v63 =	vmul.f32 v5, v2;
	_ =	sdelay $0x1  }
0x6f: {  	v0 =	vadd.f32 v63, v0;
	_ =	sdelay $0x1  }
0x70: {  	v0 =	vsub.f32 $0.0e+00, v0;
	_ =	sdelay $0x1  }
0x71: {  	v0 =	vmul.f32 $1.442695020e+00, v0;
	_ =	sdelay $0x1  }
0x72: {  	(erf) = vpow2.f32 v0;
	_ =	sdelay $0x8  }
0x73: {  	v0 =	vpop (erf)  }
0x74: {  	v0 =	vadd.f32 $1.000000000e+00, v0;
	_ =	sdelay $0x1  }
0x75: {  	(erf) = vrcp.f32 v0;
	_ =	sdelay $0x3  }
0x76: {  	s23 =	sshll.u32 s20, $0x4;
	s20 =	sadd.s32 $0x1, s20  }
0x77: {  	p0 =	sne.s32 s20, $0x20  }
.Ltmp2:
0x78: {  	_ = 	snop;
	(pc) =	sbr.rel @p0 .LBB2_4-.Ltmp2, $3  }
0x79: {  	_ =	sdelay $0x1  }
0x7a: {  	s23 =	sand.u32 $0x3FFFFFF0, s23;
	v0 =	vpop (erf)  }
0x7b: {  	s21 =	sadd.s32 $0x10, s21;
	s22 =	sadd.s32 $0x10, s22;
	[tilespmem:s23+$0x10400] =	vst v0  }
0x7c: {  	s19 =	sadd.s32 $0x1, s19  }
0x7d: {  	p0 =	sne.s32 s19, s7  }
.Ltmp3:
0x7e: {  	_ = 	snop;
	(pc) =	sbr.rel @p0 .LBB2_1-.Ltmp3, $4  }
0x7f: {  	[hbm4b:s6+s2] =	stream.linear.scatter [tilespmem:s18], [sflag:$0x3], $0x200, $0x38;
	[tilespmem:$0x10600] =	vst v63  }
0x80: {  	_ =	swait.ge [sflag:s8], $0x200  }
0x81: {  	[sflag:s8] =	ssyncset.done $0x0  }
0x82: {  	[sflag:s8] =	ssyncadd.s32 $0xFFFFFE00  }
0x83: {  	_ =	sfence.sel $0x180000  }
0x84: {  	[bflag:$0x0] =	sbarrier.arrive $0xFFFF  }
0x85: {  	p0 =	sne.s32 s1, $0x0;
	_ =	strace $0x90000047  }
0x86: {  	s0 =	sadd.s32 @!p0 $0x100000, s0;
	[bflag:$0x2] =	sbarrier.arrive $0xFFFF  }
0x87: {  	[sflag:s0] =	ssyncadd.tile.s32 @!p0 $0x1;
	_ =	shalt  }
.Lfunc_end2:
_tile_overlayer_lowered:
.L_overlay_start_2:
0x88: {  	(tag) =	ssettag $0x2  }
0x89: {  	s0 =	rddreg [dreg:$0x0];
	s2 =	stileid.u32  }
0x8a: {  	s1 =	rddreg [dreg:$0x1];
	p0 =	sne.s32 s2, $0x0  }
0x8b: {  	s3 =	rddreg [dreg:$0x2];
	[bflag:$0x3] =	sbarrier.arrive $0xFFFF;
	s2 =	simm.s32 @!p0 $0x1C03  }
0x8c: {  	[timem:s3], [sflag:s2] =	dma.local @!p0 [hbm:s0], s1  }
0x8d: {  	s0 =	simm.s32 @!p0 $0x3  }
0x8e: {  	_ =	swait.ge @!p0 [sflag:s0], s1  }
0x8f: {  	s1 =	ssub.s32 @!p0 $0x0, s1;
	[sflag:s0] =	ssyncset.done @!p0 $0x0  }
0x90: {  	[sflag:s0] =	ssyncadd.s32 @!p0 s1  }
0x91: {  	[bflag:$0x3] =	sbarrier.arrive $0xFFFF  }
0x92: {  	_ =	shalt  }

</sc_bundles>
